<compile_context>
chip_gen: v7x
topology: tpu7x:2x2x1
jax: 0.10.2.dev20260603
libtpu: 0.0.44.dev20260713+nightly
codegen_flags: <defaults>
</compile_context>

<pallas_src>
import functools

import jax
import jax.numpy as jnp
from jax import lax
from jax.experimental import pallas as pl
from jax.experimental.pallas import tpu as pltpu
from jax.experimental.pallas import tpu_sc as plsc

DIM_H = 1024
NV = 320
GR = 2
DCODE = 128
TB = 1024


def _argmax_body(hs_ref, w_ref, b_ref, idx_ref):
    hs = hs_ref[...]
    l = jnp.dot(hs, w_ref[...], preferred_element_type=jnp.float32)
    l = l + b_ref[...][None, :]
    lane = lax.broadcasted_iota(jnp.int32, (TB, 128), 1)
    big = jnp.int32(2 ** 30)
    ninf = jnp.float32(float("-inf"))
    c = [l[:, 128 * k:128 * (k + 1)] for k in range(5)]
    c2a = jnp.where(lane < 64, c[2], ninf)
    c2b = jnp.where(lane >= 64, c[2], ninf)

    m0 = jnp.max(jnp.maximum(jnp.maximum(c[0], c[1]), c2a), axis=1,
                 keepdims=True)
    m1 = jnp.max(jnp.maximum(jnp.maximum(c2b, c[3]), c[4]), axis=1,
                 keepdims=True)

    k0 = jnp.where(c[0] == m0, lane, big)
    k0 = jnp.minimum(k0, jnp.where(c[1] == m0, lane + 128, big))
    k0 = jnp.minimum(k0, jnp.where(c2a == m0, lane + 256, big))
    i0 = jnp.min(k0, axis=1, keepdims=True)

    k1 = jnp.where(c2b == m1, lane + 256, big)
    k1 = jnp.minimum(k1, jnp.where(c[3] == m1, lane + 384, big))
    k1 = jnp.minimum(k1, jnp.where(c[4] == m1, lane + 512, big))
    i1 = jnp.min(k1, axis=1, keepdims=True)

    idx_ref[0] = i0
    idx_ref[1] = i1


def _argmax_call(hs2d, w_proj, b_proj):
    T = hs2d.shape[0]
    return pl.pallas_call(
        _argmax_body,
        grid=(T // TB,),
        in_specs=[
            pl.BlockSpec((TB, DIM_H), lambda i: (i, 0)),
            pl.BlockSpec((DIM_H, GR * NV), lambda i: (0, 0)),
            pl.BlockSpec((GR * NV,), lambda i: (0,)),
        ],
        out_specs=pl.BlockSpec((GR, TB, 1), lambda i: (0, i, 0)),
        out_shape=jax.ShapeDtypeStruct((GR, T, 1), jnp.int32),
    )(hs2d, w_proj, b_proj)


def _dist_body(idx_ref, dist_ref):
    iota = lax.broadcasted_iota(jnp.int32, (NV, TB), 0)
    i0 = idx_ref[0]
    i1 = idx_ref[1] - NV
    dist_ref[0] = (iota == i0[None, :]).astype(jnp.float32)
    dist_ref[1] = (iota == i1[None, :]).astype(jnp.float32)


def _dist_call(idx2):
    T = idx2.shape[1]
    return pl.pallas_call(
        _dist_body,
        grid=(T // TB,),
        in_specs=[pl.BlockSpec((GR, TB), lambda i: (0, i))],
        out_specs=pl.BlockSpec((GR, NV, TB), lambda i: (0, 0, i)),
        out_shape=jax.ShapeDtypeStruct((GR, NV, T), jnp.float32),
    )(idx2)


@functools.lru_cache(maxsize=None)
def _make_sc_gather(T):
    info = plsc.get_sparse_core_info()
    nw = info.num_cores * info.num_subcores
    t_per_w = T // nw
    mesh = plsc.VectorSubcoreMesh(core_axis_name="c", subcore_axis_name="s")

    @functools.partial(
        pl.kernel,
        mesh=mesh,
        out_type=jax.ShapeDtypeStruct((T, GR * DCODE), jnp.float32),
        scratch_types=[
            pltpu.VMEM((t_per_w,), jnp.int32),
            pltpu.VMEM((t_per_w,), jnp.int32),
            pltpu.VMEM((t_per_w, DCODE), jnp.float32),
            pltpu.VMEM((t_per_w, DCODE), jnp.float32),
            pltpu.SemaphoreType.DMA,
            pltpu.SemaphoreType.DMA,
            pltpu.SemaphoreType.DMA,
            pltpu.SemaphoreType.DMA,
        ],
    )
    def k(table_hbm, idx_hbm, out_hbm, ia_v, ib_v, g0_v, g1_v,
          sem0, sem1, sem2, sem3):
        wid = lax.axis_index("s") * info.num_cores + lax.axis_index("c")
        base = wid * t_per_w
        pltpu.sync_copy(idx_hbm.at[0, pl.ds(base, t_per_w)], ia_v)
        pltpu.sync_copy(idx_hbm.at[1, pl.ds(base, t_per_w)], ib_v)
        c0 = pltpu.async_copy(table_hbm.at[ia_v], g0_v, sem0)
        c1 = pltpu.async_copy(table_hbm.at[ib_v], g1_v, sem1)
        c0.wait()
        w0 = pltpu.async_copy(
            g0_v, out_hbm.at[pl.ds(base, t_per_w), pl.ds(0, DCODE)], sem2)
        c1.wait()
        w1 = pltpu.async_copy(
            g1_v, out_hbm.at[pl.ds(base, t_per_w), pl.ds(DCODE, DCODE)], sem3)
        w0.wait()
        w1.wait()

    return k


def kernel(hidden_states, codevectors, w_proj, b_proj):
    B, S, H = hidden_states.shape
    T = B * S
    hs2d = hidden_states.reshape(T, H)
    idx2 = _argmax_call(hs2d, w_proj, b_proj).reshape(GR, T)

    table = codevectors.reshape(GR * NV, DCODE)
    cv = _make_sc_gather(T)(table, idx2)
    cv = cv.reshape(B, S, GR * DCODE)
    dist_t = _dist_call(idx2)
    dist = jnp.transpose(dist_t, (2, 0, 1))
    return cv, dist

# --- scband reference (transcript-rebuilt; emitter-appended) ---
"""Pipeline reference for scband-gumbel-vector-quantizer-26001732009984 (READ-ONLY COPY).

The authoritative reference and input builder live on the scoring server;
editing this copy changes nothing except your own understanding.
"""

import jax, jax.numpy as jnp
import numpy as np

DIM = 1024
CODEVECTOR_DIM = 256
GROUPS = 2
NUM_VARS = 320

def setup_inputs(seed: int = 0) -> dict:
    key = jax.random.key(seed)
    k1, k2, k3, k4 = jax.random.split(key, 4)
    hidden_states = jax.random.normal(k1, (2, 2048, DIM), dtype=jnp.float32)
    # codevectors parameter: (1, groups*num_vars, codevector_dim//groups), uniform init
    codevectors = jax.random.uniform(k2, (1, GROUPS * NUM_VARS, CODEVECTOR_DIM // GROUPS), dtype=jnp.float32)
    # weight_proj: Linear(dim, groups*num_vars)
    bound = 1.0 / np.sqrt(DIM)
    w_proj = jax.random.uniform(k3, (DIM, GROUPS * NUM_VARS), dtype=jnp.float32, minval=-bound, maxval=bound)
    b_proj = jax.random.uniform(k4, (GROUPS * NUM_VARS,), dtype=jnp.float32, minval=-bound, maxval=bound)
    return {"hidden_states": hidden_states, "codevectors": codevectors, "w_proj": w_proj, "b_proj": b_proj}

def reference(hidden_states, codevectors, w_proj, b_proj):
    # eval-mode (argmax / hard one-hot) path of GumbelVectorQuantizer.forward
    B, S, H = hidden_states.shape
    T = B * S
    logits = hidden_states @ w_proj + b_proj  # [B, S, G*V]
    logits = logits.reshape(T * GROUPS, NUM_VARS)
    codevector_idx = jnp.argmax(logits, axis=-1)  # [T*G]
    codevector_probs = jax.nn.one_hot(codevector_idx, NUM_VARS, dtype=logits.dtype)  # [T*G, V]
    codevector_probs = codevector_probs.reshape(T, GROUPS, NUM_VARS)
    codevector_dist = codevector_probs
    # codevectors_per_group = probs.view(T, -1, 1) * codevectors; sum over vars
    cb = codevectors.reshape(GROUPS, NUM_VARS, CODEVECTOR_DIM // GROUPS)
    cv = jnp.einsum('tgv,gvd->tgd', codevector_probs, cb)  # same math as (probs[:, :, None] * codevectors).view(T, G, V, d).sum(-2)
    cv = cv.reshape(B, S, CODEVECTOR_DIM)
    return cv, codevector_dist

if __name__ == "__main__":
    import jax
    _d = setup_inputs()
    print(jax.jit(kernel)(*tuple(_d.values())))

</pallas_src>

<mosaic_0001>
#map = affine_map<(d0, d1) -> (0, 0)>
module attributes {stable_mosaic.version = 14 : i64} {
  func.func @k(%arg0: i32, %arg1: i32, %arg2: memref<640x128xf32, #tpu.memory_space<hbm>>, %arg3: memref<2x4096xi32, #tpu.memory_space<hbm>>, %arg4: memref<4096x256xf32, #tpu.memory_space<hbm>>, %arg5: memref<128xi32, #tpu.memory_space<vmem>>, %arg6: memref<128xi32, #tpu.memory_space<vmem>>, %arg7: memref<128x128xf32, #tpu.memory_space<vmem>>, %arg8: memref<128x128xf32, #tpu.memory_space<vmem>>, %arg9: memref<!tpu.dma_semaphore, #tpu.memory_space<semaphore_mem>>, %arg10: memref<!tpu.dma_semaphore, #tpu.memory_space<semaphore_mem>>, %arg11: memref<!tpu.dma_semaphore, #tpu.memory_space<semaphore_mem>>, %arg12: memref<!tpu.dma_semaphore, #tpu.memory_space<semaphore_mem>>) attributes {dimension_semantics = [#tpu.dimension_semantics<core_parallel>, #tpu.dimension_semantics<subcore_parallel>], iteration_bounds = array<i64: 2, 16>, scalar_prefetch = 0 : i64, scratch_operands = 8 : i64, tpu.core_type = #tpu.core_type<sc_vector_subcore>, window_params = [{transform_indices = #map}, {transform_indices = #map}, {transform_indices = #map}]} {
    %mul3A = arith.constant 2 : i32
    %mul3A_0 = arith.muli %arg1, %mul3A : i32
    %add3A = arith.addi %mul3A_0, %arg0 : i32
    %mul3A_1 = arith.constant 128 : i32
    %mul3A_2 = arith.muli %add3A, %mul3A_1 : i32
    %run_scoped3A = arith.constant 0 : i32
    "tpu.region"() ({
      %run_scoped3A_30 = tpu.sem_alloc : memref<!tpu.dma_semaphore, #tpu.memory_space<semaphore_mem>>
      %dma_start3A_31 = tpu.memref_slice %arg3[%run_scoped3A, %mul3A_2] : memref<2x4096xi32, #tpu.memory_space<hbm>> -> memref<1x128xi32, #tpu.memory_space<hbm>>
      %dma_start3A_32 = tpu.memref_squeeze %dma_start3A_31 : memref<1x128xi32, #tpu.memory_space<hbm>> -> memref<128xi32, #tpu.memory_space<hbm>>
      %dma_start3A_33 = tpu.memref_slice %arg3[%run_scoped3A, %mul3A_2] : memref<2x4096xi32, #tpu.memory_space<hbm>> -> memref<1x128xi32, #tpu.memory_space<hbm>>
      %dma_start3A_34 = tpu.memref_squeeze %dma_start3A_33 : memref<1x128xi32, #tpu.memory_space<hbm>> -> memref<128xi32, #tpu.memory_space<hbm>>
      tpu.enqueue_dma source(%dma_start3A_34 : memref<128xi32, #tpu.memory_space<hbm>>) target(%arg5 : memref<128xi32, #tpu.memory_space<vmem>>) target_semaphore(%run_scoped3A_30 : memref<!tpu.dma_semaphore, #tpu.memory_space<semaphore_mem>>)
      %dma_wait3A_35 = tpu.memref_slice %arg3[%run_scoped3A, %mul3A_2] : memref<2x4096xi32, #tpu.memory_space<hbm>> -> memref<1x128xi32, #tpu.memory_space<hbm>>
      %dma_wait3A_36 = tpu.memref_squeeze %dma_wait3A_35 : memref<1x128xi32, #tpu.memory_space<hbm>> -> memref<128xi32, #tpu.memory_space<hbm>>
      %dma_wait3A_37 = tpu.memref_slice %arg3[%run_scoped3A, %mul3A_2] : memref<2x4096xi32, #tpu.memory_space<hbm>> -> memref<1x128xi32, #tpu.memory_space<hbm>>
      %dma_wait3A_38 = tpu.memref_squeeze %dma_wait3A_37 : memref<1x128xi32, #tpu.memory_space<hbm>> -> memref<128xi32, #tpu.memory_space<hbm>>
      tpu.wait_dma2 semaphore(%run_scoped3A_30 : memref<!tpu.dma_semaphore, #tpu.memory_space<semaphore_mem>>) src(%dma_wait3A_38 : memref<128xi32, #tpu.memory_space<hbm>>) dst(%arg5 : memref<128xi32, #tpu.memory_space<vmem>>)
      tpu.yield
    }) : () -> ()
    %run_scoped3A_3 = arith.constant 1 : i32
    "tpu.region"() ({
      %run_scoped3A_30 = tpu.sem_alloc : memref<!tpu.dma_semaphore, #tpu.memory_space<semaphore_mem>>
      %dma_start3A_31 = tpu.memref_slice %arg3[%run_scoped3A_3, %mul3A_2] : memref<2x4096xi32, #tpu.memory_space<hbm>> -> memref<1x128xi32, #tpu.memory_space<hbm>>
      %dma_start3A_32 = tpu.memref_squeeze %dma_start3A_31 : memref<1x128xi32, #tpu.memory_space<hbm>> -> memref<128xi32, #tpu.memory_space<hbm>>
      %dma_start3A_33 = tpu.memref_slice %arg3[%run_scoped3A_3, %mul3A_2] : memref<2x4096xi32, #tpu.memory_space<hbm>> -> memref<1x128xi32, #tpu.memory_space<hbm>>
      %dma_start3A_34 = tpu.memref_squeeze %dma_start3A_33 : memref<1x128xi32, #tpu.memory_space<hbm>> -> memref<128xi32, #tpu.memory_space<hbm>>
      tpu.enqueue_dma source(%dma_start3A_34 : memref<128xi32, #tpu.memory_space<hbm>>) target(%arg6 : memref<128xi32, #tpu.memory_space<vmem>>) target_semaphore(%run_scoped3A_30 : memref<!tpu.dma_semaphore, #tpu.memory_space<semaphore_mem>>)
      %dma_wait3A_35 = tpu.memref_slice %arg3[%run_scoped3A_3, %mul3A_2] : memref<2x4096xi32, #tpu.memory_space<hbm>> -> memref<1x128xi32, #tpu.memory_space<hbm>>
      %dma_wait3A_36 = tpu.memref_squeeze %dma_wait3A_35 : memref<1x128xi32, #tpu.memory_space<hbm>> -> memref<128xi32, #tpu.memory_space<hbm>>
      %dma_wait3A_37 = tpu.memref_slice %arg3[%run_scoped3A_3, %mul3A_2] : memref<2x4096xi32, #tpu.memory_space<hbm>> -> memref<1x128xi32, #tpu.memory_space<hbm>>
      %dma_wait3A_38 = tpu.memref_squeeze %dma_wait3A_37 : memref<1x128xi32, #tpu.memory_space<hbm>> -> memref<128xi32, #tpu.memory_space<hbm>>
      tpu.wait_dma2 semaphore(%run_scoped3A_30 : memref<!tpu.dma_semaphore, #tpu.memory_space<semaphore_mem>>) src(%dma_wait3A_38 : memref<128xi32, #tpu.memory_space<hbm>>) dst(%arg6 : memref<128xi32, #tpu.memory_space<vmem>>)
      tpu.yield
    }) : () -> ()
    %dma_start3A = arith.constant 0 : i32
    %dma_start3A_4 = arith.constant 0 : i32
    %dma_start3A_5 = tpu.memref_slice %arg2[%dma_start3A, %dma_start3A_4] : memref<640x128xf32, #tpu.memory_space<hbm>> -> memref<640x128xf32, #tpu.memory_space<hbm>>
    tpu.enqueue_indirect_dma source(%dma_start3A_5 : memref<640x128xf32, #tpu.memory_space<hbm>>) target(%arg7 : memref<128x128xf32, #tpu.memory_space<vmem>>) offsets(%arg5 : memref<128xi32, #tpu.memory_space<vmem>>) semaphore(%arg9 : memref<!tpu.dma_semaphore, #tpu.memory_space<semaphore_mem>>)
    %dma_start3A_6 = arith.constant 0 : i32
    %dma_start3A_7 = arith.constant 0 : i32
    %dma_start3A_8 = tpu.memref_slice %arg2[%dma_start3A_6, %dma_start3A_7] : memref<640x128xf32, #tpu.memory_space<hbm>> -> memref<640x128xf32, #tpu.memory_space<hbm>>
    tpu.enqueue_indirect_dma source(%dma_start3A_8 : memref<640x128xf32, #tpu.memory_space<hbm>>) target(%arg8 : memref<128x128xf32, #tpu.memory_space<vmem>>) offsets(%arg6 : memref<128xi32, #tpu.memory_space<vmem>>) semaphore(%arg10 : memref<!tpu.dma_semaphore, #tpu.memory_space<semaphore_mem>>)
    %dma_wait3A = arith.constant 0 : i32
    %dma_wait3A_9 = arith.constant 0 : i32
    %dma_wait3A_10 = tpu.memref_slice %arg2[%dma_wait3A, %dma_wait3A_9] : memref<640x128xf32, #tpu.memory_space<hbm>> -> memref<640x128xf32, #tpu.memory_space<hbm>>
    tpu.wait_indirect_dma semaphore(%arg9 : memref<!tpu.dma_semaphore, #tpu.memory_space<semaphore_mem>>) src(%dma_wait3A_10 : memref<640x128xf32, #tpu.memory_space<hbm>>) dst(%arg7 : memref<128x128xf32, #tpu.memory_space<vmem>>)
    %dma_start3A_11 = arith.constant 0 : i32
    %dma_start3A_12 = tpu.memref_slice %arg4[%mul3A_2, %dma_start3A_11] : memref<4096x256xf32, #tpu.memory_space<hbm>> -> memref<128x128xf32, #tpu.memory_space<hbm>>
    %dma_start3A_13 = arith.constant 0 : i32
    %dma_start3A_14 = tpu.memref_slice %arg4[%mul3A_2, %dma_start3A_13] : memref<4096x256xf32, #tpu.memory_space<hbm>> -> memref<128x128xf32, #tpu.memory_space<hbm>>
    tpu.enqueue_dma source(%arg7 : memref<128x128xf32, #tpu.memory_space<vmem>>) target(%dma_start3A_14 : memref<128x128xf32, #tpu.memory_space<hbm>>) target_semaphore(%arg11 : memref<!tpu.dma_semaphore, #tpu.memory_space<semaphore_mem>>)
    %dma_wait3A_15 = arith.constant 0 : i32
    %dma_wait3A_16 = arith.constant 0 : i32
    %dma_wait3A_17 = tpu.memref_slice %arg2[%dma_wait3A_15, %dma_wait3A_16] : memref<640x128xf32, #tpu.memory_space<hbm>> -> memref<640x128xf32, #tpu.memory_space<hbm>>
    tpu.wait_indirect_dma semaphore(%arg10 : memref<!tpu.dma_semaphore, #tpu.memory_space<semaphore_mem>>) src(%dma_wait3A_17 : memref<640x128xf32, #tpu.memory_space<hbm>>) dst(%arg8 : memref<128x128xf32, #tpu.memory_space<vmem>>)
    %dma_start3A_18 = arith.constant 128 : i32
    %dma_start3A_19 = tpu.memref_slice %arg4[%mul3A_2, %dma_start3A_18] : memref<4096x256xf32, #tpu.memory_space<hbm>> -> memref<128x128xf32, #tpu.memory_space<hbm>>
    %dma_start3A_20 = arith.constant 128 : i32
    %dma_start3A_21 = tpu.memref_slice %arg4[%mul3A_2, %dma_start3A_20] : memref<4096x256xf32, #tpu.memory_space<hbm>> -> memref<128x128xf32, #tpu.memory_space<hbm>>
    tpu.enqueue_dma source(%arg8 : memref<128x128xf32, #tpu.memory_space<vmem>>) target(%dma_start3A_21 : memref<128x128xf32, #tpu.memory_space<hbm>>) target_semaphore(%arg12 : memref<!tpu.dma_semaphore, #tpu.memory_space<semaphore_mem>>)
    %dma_wait3A_22 = arith.constant 0 : i32
    %dma_wait3A_23 = tpu.memref_slice %arg4[%mul3A_2, %dma_wait3A_22] : memref<4096x256xf32, #tpu.memory_space<hbm>> -> memref<128x128xf32, #tpu.memory_space<hbm>>
    %dma_wait3A_24 = arith.constant 0 : i32
    %dma_wait3A_25 = tpu.memref_slice %arg4[%mul3A_2, %dma_wait3A_24] : memref<4096x256xf32, #tpu.memory_space<hbm>> -> memref<128x128xf32, #tpu.memory_space<hbm>>
    tpu.wait_dma2 semaphore(%arg11 : memref<!tpu.dma_semaphore, #tpu.memory_space<semaphore_mem>>) src(%arg7 : memref<128x128xf32, #tpu.memory_space<vmem>>) dst(%dma_wait3A_25 : memref<128x128xf32, #tpu.memory_space<hbm>>)
    %dma_wait3A_26 = arith.constant 128 : i32
    %dma_wait3A_27 = tpu.memref_slice %arg4[%mul3A_2, %dma_wait3A_26] : memref<4096x256xf32, #tpu.memory_space<hbm>> -> memref<128x128xf32, #tpu.memory_space<hbm>>
    %dma_wait3A_28 = arith.constant 128 : i32
    %dma_wait3A_29 = tpu.memref_slice %arg4[%mul3A_2, %dma_wait3A_28] : memref<4096x256xf32, #tpu.memory_space<hbm>> -> memref<128x128xf32, #tpu.memory_space<hbm>>
    tpu.wait_dma2 semaphore(%arg12 : memref<!tpu.dma_semaphore, #tpu.memory_space<semaphore_mem>>) src(%arg8 : memref<128x128xf32, #tpu.memory_space<vmem>>) dst(%dma_wait3A_29 : memref<128x128xf32, #tpu.memory_space<hbm>>)
    return
  }
}

module attributes {stable_mosaic.version = 14 : i64} {
  func.func @_argmax_body(%arg0: i32, %arg1: memref<1024x1024xf32, #tpu.memory_space<vmem>>, %arg2: memref<1024x640xf32, #tpu.memory_space<vmem>>, %arg3: memref<640xf32, #tpu.memory_space<vmem>>, %arg4: memref<2x1024x1xi32, #tpu.memory_space<vmem>>) attributes {dimension_semantics = [#tpu.dimension_semantics<arbitrary>], iteration_bounds = array<i64: 4>, scalar_prefetch = 0 : i64, scratch_operands = 0 : i64, tpu.core_type = #tpu.core_type<tc>, window_params = [{transform_indices = @transform_0, window_bounds = array<i64: 1024, 1024>}, {pipeline_mode = #tpu.pipeline_mode<synchronous>, transform_indices = @transform_1, window_bounds = array<i64: 1024, 640>}, {pipeline_mode = #tpu.pipeline_mode<synchronous>, transform_indices = @transform_2, window_bounds = array<i64: 640>}, {transform_indices = @transform_3, window_bounds = array<i64: 2, 1024, 1>}]} {
    %get3A = arith.constant 0 : index
    %get3A_0 = arith.constant 0 : index
    %get3A_1 = vector.load %arg1[%get3A, %get3A_0] : memref<1024x1024xf32, #tpu.memory_space<vmem>>, vector<1024x1024xf32>
    %get3A_2 = arith.constant 0 : index
    %get3A_3 = arith.constant 0 : index
    %get3A_4 = vector.load %arg2[%get3A_2, %get3A_3] : memref<1024x640xf32, #tpu.memory_space<vmem>>, vector<1024x640xf32>
    %dot_general3A = arith.constant dense<0.000000e+00> : vector<1024x640xf32>
    %dot_general3A_5 = tpu.matmul %get3A_1, %get3A_4, %dot_general3A {dimension_numbers = #tpu.dot_dimension_numbers<[1], [0], [0], [1], [0, 0, 1, 1], [], []>, transpose_lhs_hint = false} : vector<1024x1024xf32>, vector<1024x640xf32>, vector<1024x640xf32> -> vector<1024x640xf32>
    %get3A_6 = arith.constant 0 : index
    %get3A_7 = vector.load %arg3[%get3A_6] : memref<640xf32, #tpu.memory_space<vmem>>, vector<640xf32>
    %broadcast_in_dim3A = vector.shape_cast %get3A_7 : vector<640xf32> to vector<1x640xf32>
    %add3A = vector.broadcast %broadcast_in_dim3A : vector<1x640xf32> to vector<1024x640xf32>
    %add3A_8 = arith.addf %dot_general3A_5, %add3A : vector<1024x640xf32>
    %iota3A = tpu.iota {dimensions = array<i32: 1>} : vector<1024x128xi32>
    %slice3A = vector.extract_strided_slice %add3A_8 {offsets = [0, 0], sizes = [1024, 128], strides = [1, 1]} : vector<1024x640xf32> to vector<1024x128xf32>
    %slice3A_9 = vector.extract_strided_slice %add3A_8 {offsets = [0, 128], sizes = [1024, 128], strides = [1, 1]} : vector<1024x640xf32> to vector<1024x128xf32>
    %slice3A_10 = vector.extract_strided_slice %add3A_8 {offsets = [0, 256], sizes = [1024, 128], strides = [1, 1]} : vector<1024x640xf32> to vector<1024x128xf32>
    %slice3A_11 = vector.extract_strided_slice %add3A_8 {offsets = [0, 384], sizes = [1024, 128], strides = [1, 1]} : vector<1024x640xf32> to vector<1024x128xf32>
    %slice3A_12 = vector.extract_strided_slice %add3A_8 {offsets = [0, 512], sizes = [1024, 128], strides = [1, 1]} : vector<1024x640xf32> to vector<1024x128xf32>
    %lt3A = arith.constant 64 : i32
    %lt3A_13 = vector.broadcast %lt3A : i32 to vector<1024x128xi32>
    %lt3A_14 = arith.cmpi slt, %iota3A, %lt3A_13 : vector<1024x128xi32>
    %jit3A = arith.constant 0xFF800000 : f32
    %broadcast_in_dim3A_15 = vector.broadcast %jit3A : f32 to vector<1024x128xf32>
    %select_n3A = arith.select %lt3A_14, %slice3A_10, %broadcast_in_dim3A_15 : vector<1024x128xi1>, vector<1024x128xf32>
    %ge3A = arith.constant 64 : i32
    %ge3A_16 = vector.broadcast %ge3A : i32 to vector<1024x128xi32>
    %ge3A_17 = arith.cmpi sge, %iota3A, %ge3A_16 : vector<1024x128xi32>
    %jit3A_18 = arith.constant 0xFF800000 : f32
    %broadcast_in_dim3A_19 = vector.broadcast %jit3A_18 : f32 to vector<1024x128xf32>
    %select_n3A_20 = arith.select %ge3A_17, %slice3A_10, %broadcast_in_dim3A_19 : vector<1024x128xi1>, vector<1024x128xf32>
    %max3A = arith.maximumf %slice3A, %slice3A_9 : vector<1024x128xf32>
    %max3A_21 = arith.maximumf %max3A, %select_n3A : vector<1024x128xf32>
    %reduce_max3A = arith.constant dense<0xFF800000> : vector<1024xf32>
    %reduce_max3A_22 = vector.multi_reduction <maximumf>, %max3A_21, %reduce_max3A [1] : vector<1024x128xf32> to vector<1024xf32>
    %broadcast_in_dim3A_23 = vector.shape_cast %reduce_max3A_22 : vector<1024xf32> to vector<1024x1xf32>
    %max3A_24 = arith.maximumf %select_n3A_20, %slice3A_11 : vector<1024x128xf32>
    %max3A_25 = arith.maximumf %max3A_24, %slice3A_12 : vector<1024x128xf32>
    %reduce_max3A_26 = arith.constant dense<0xFF800000> : vector<1024xf32>
    %reduce_max3A_27 = vector.multi_reduction <maximumf>, %max3A_25, %reduce_max3A_26 [1] : vector<1024x128xf32> to vector<1024xf32>
    %broadcast_in_dim3A_28 = vector.shape_cast %reduce_max3A_27 : vector<1024xf32> to vector<1024x1xf32>
    %eq3A = vector.broadcast %broadcast_in_dim3A_23 : vector<1024x1xf32> to vector<1024x128xf32>
    %eq3A_29 = arith.cmpf oeq, %slice3A, %eq3A : vector<1024x128xf32>
    %jit3A_30 = arith.constant 1073741824 : i32
    %broadcast_in_dim3A_31 = vector.broadcast %jit3A_30 : i32 to vector<1024x128xi32>
    %select_n3A_32 = arith.select %eq3A_29, %iota3A, %broadcast_in_dim3A_31 : vector<1024x128xi1>, vector<1024x128xi32>
    %eq3A_33 = vector.broadcast %broadcast_in_dim3A_23 : vector<1024x1xf32> to vector<1024x128xf32>
    %eq3A_34 = arith.cmpf oeq, %slice3A_9, %eq3A_33 : vector<1024x128xf32>
    %add3A_35 = arith.constant 128 : i32
    %add3A_36 = vector.broadcast %add3A_35 : i32 to vector<1024x128xi32>
    %add3A_37 = arith.addi %iota3A, %add3A_36 : vector<1024x128xi32>
    %jit3A_38 = arith.constant 1073741824 : i32
    %broadcast_in_dim3A_39 = vector.broadcast %jit3A_38 : i32 to vector<1024x128xi32>
    %select_n3A_40 = arith.select %eq3A_34, %add3A_37, %broadcast_in_dim3A_39 : vector<1024x128xi1>, vector<1024x128xi32>
    %min3A = arith.minsi %select_n3A_32, %select_n3A_40 : vector<1024x128xi32>
    %eq3A_41 = vector.broadcast %broadcast_in_dim3A_23 : vector<1024x1xf32> to vector<1024x128xf32>
    %eq3A_42 = arith.cmpf oeq, %select_n3A, %eq3A_41 : vector<1024x128xf32>
    %add3A_43 = arith.constant 256 : i32
    %add3A_44 = vector.broadcast %add3A_43 : i32 to vector<1024x128xi32>
    %add3A_45 = arith.addi %iota3A, %add3A_44 : vector<1024x128xi32>
    %jit3A_46 = arith.constant 1073741824 : i32
    %broadcast_in_dim3A_47 = vector.broadcast %jit3A_46 : i32 to vector<1024x128xi32>
    %select_n3A_48 = arith.select %eq3A_42, %add3A_45, %broadcast_in_dim3A_47 : vector<1024x128xi1>, vector<1024x128xi32>
    %min3A_49 = arith.minsi %min3A, %select_n3A_48 : vector<1024x128xi32>
    %reduce_min3A = arith.constant dense<2147483647> : vector<1024xi32>
    %reduce_min3A_50 = vector.multi_reduction <minsi>, %min3A_49, %reduce_min3A [1] : vector<1024x128xi32> to vector<1024xi32>
    %broadcast_in_dim3A_51 = vector.shape_cast %reduce_min3A_50 : vector<1024xi32> to vector<1024x1xi32>
    %eq3A_52 = vector.broadcast %broadcast_in_dim3A_28 : vector<1024x1xf32> to vector<1024x128xf32>
    %eq3A_53 = arith.cmpf oeq, %select_n3A_20, %eq3A_52 : vector<1024x128xf32>
    %add3A_54 = arith.constant 256 : i32
    %add3A_55 = vector.broadcast %add3A_54 : i32 to vector<1024x128xi32>
    %add3A_56 = arith.addi %iota3A, %add3A_55 : vector<1024x128xi32>
    %jit3A_57 = arith.constant 1073741824 : i32
    %broadcast_in_dim3A_58 = vector.broadcast %jit3A_57 : i32 to vector<1024x128xi32>
    %select_n3A_59 = arith.select %eq3A_53, %add3A_56, %broadcast_in_dim3A_58 : vector<1024x128xi1>, vector<1024x128xi32>
    %eq3A_60 = vector.broadcast %broadcast_in_dim3A_28 : vector<1024x1xf32> to vector<1024x128xf32>
    %eq3A_61 = arith.cmpf oeq, %slice3A_11, %eq3A_60 : vector<1024x128xf32>
    %add3A_62 = arith.constant 384 : i32
    %add3A_63 = vector.broadcast %add3A_62 : i32 to vector<1024x128xi32>
    %add3A_64 = arith.addi %iota3A, %add3A_63 : vector<1024x128xi32>
    %jit3A_65 = arith.constant 1073741824 : i32
    %broadcast_in_dim3A_66 = vector.broadcast %jit3A_65 : i32 to vector<1024x128xi32>
    %select_n3A_67 = arith.select %eq3A_61, %add3A_64, %broadcast_in_dim3A_66 : vector<1024x128xi1>, vector<1024x128xi32>
    %min3A_68 = arith.minsi %select_n3A_59, %select_n3A_67 : vector<1024x128xi32>
    %eq3A_69 = vector.broadcast %broadcast_in_dim3A_28 : vector<1024x1xf32> to vector<1024x128xf32>
    %eq3A_70 = arith.cmpf oeq, %slice3A_12, %eq3A_69 : vector<1024x128xf32>
    %add3A_71 = arith.constant 512 : i32
    %add3A_72 = vector.broadcast %add3A_71 : i32 to vector<1024x128xi32>
    %add3A_73 = arith.addi %iota3A, %add3A_72 : vector<1024x128xi32>
    %jit3A_74 = arith.constant 1073741824 : i32
    %broadcast_in_dim3A_75 = vector.broadcast %jit3A_74 : i32 to vector<1024x128xi32>
    %select_n3A_76 = arith.select %eq3A_70, %add3A_73, %broadcast_in_dim3A_75 : vector<1024x128xi1>, vector<1024x128xi32>
    %min3A_77 = arith.minsi %min3A_68, %select_n3A_76 : vector<1024x128xi32>
    %reduce_min3A_78 = arith.constant dense<2147483647> : vector<1024xi32>
    %reduce_min3A_79 = vector.multi_reduction <minsi>, %min3A_77, %reduce_min3A_78 [1] : vector<1024x128xi32> to vector<1024xi32>
    %broadcast_in_dim3A_80 = vector.shape_cast %reduce_min3A_79 : vector<1024xi32> to vector<1024x1xi32>
    %swap3A = arith.constant 0 : index
    %swap3A_81 = arith.constant 0 : index
    %swap3A_82 = arith.constant 0 : index
    %swap3A_83 = vector.load %arg4[%swap3A, %swap3A_81, %swap3A_82] : memref<2x1024x1xi32, #tpu.memory_space<vmem>>, vector<1x1024x1xi32>
    %swap3A_84 = vector.shape_cast %swap3A_83 : vector<1x1024x1xi32> to vector<1024x1xi32>
    %swap3A_85 = vector.shape_cast %broadcast_in_dim3A_51 : vector<1024x1xi32> to vector<1x1024x1xi32>
    tpu.vector_store %arg4[%swap3A, %swap3A_81, %swap3A_82], %swap3A_85 {strides = array<i32>} : memref<2x1024x1xi32, #tpu.memory_space<vmem>>, vector<1x1024x1xi32>,
    %swap3A_86 = arith.constant 1 : index
    %swap3A_87 = arith.constant 0 : index
    %swap3A_88 = arith.constant 0 : index
    %swap3A_89 = vector.load %arg4[%swap3A_86, %swap3A_87, %swap3A_88] : memref<2x1024x1xi32, #tpu.memory_space<vmem>>, vector<1x1024x1xi32>
    %swap3A_90 = vector.shape_cast %swap3A_89 : vector<1x1024x1xi32> to vector<1024x1xi32>
    %swap3A_91 = vector.shape_cast %broadcast_in_dim3A_80 : vector<1024x1xi32> to vector<1x1024x1xi32>
    tpu.vector_store %arg4[%swap3A_86, %swap3A_87, %swap3A_88], %swap3A_91 {strides = array<i32>} : memref<2x1024x1xi32, #tpu.memory_space<vmem>>, vector<1x1024x1xi32>,
    return
  }
  func.func @transform_0(%arg0: i32) -> (i32, i32) {
    %c0_i32 = arith.constant 0 : i32
    %c0_i32_0 = arith.constant 0 : i32
    return %arg0, %c0_i32 : i32, i32
  }
  func.func @transform_1(%arg0: i32) -> (i32, i32) {
    %c0_i32 = arith.constant 0 : i32
    %c0_i32_0 = arith.constant 0 : i32
    %c0_i32_1 = arith.constant 0 : i32
    return %c0_i32, %c0_i32_0 : i32, i32
  }
  func.func @transform_2(%arg0: i32) -> i32 {
    %c0_i32 = arith.constant 0 : i32
    %c0_i32_0 = arith.constant 0 : i32
    return %c0_i32 : i32
  }
  func.func @transform_3(%arg0: i32) -> (i32, i32, i32) {
    %c0_i32 = arith.constant 0 : i32
    %c0_i32_0 = arith.constant 0 : i32
    %c0_i32_1 = arith.constant 0 : i32
    return %c0_i32, %arg0, %c0_i32_0 : i32, i32, i32
  }
}

module attributes {stable_mosaic.version = 14 : i64} {
  func.func @_dist_body(%arg0: i32, %arg1: memref<2x1024xi32, #tpu.memory_space<vmem>>, %arg2: memref<2x320x1024xf32, #tpu.memory_space<vmem>>) attributes {dimension_semantics = [#tpu.dimension_semantics<arbitrary>], iteration_bounds = array<i64: 4>, scalar_prefetch = 0 : i64, scratch_operands = 0 : i64, tpu.core_type = #tpu.core_type<tc>, window_params = [{transform_indices = @transform_0, window_bounds = array<i64: 2, 1024>}, {transform_indices = @transform_1, window_bounds = array<i64: 2, 320, 1024>}]} {
    %iota3A = tpu.iota {dimensions = array<i32: 0>} : vector<320x1024xi32>
    %get3A = arith.constant 0 : index
    %get3A_0 = arith.constant 0 : index
    %get3A_1 = vector.load %arg1[%get3A, %get3A_0] : memref<2x1024xi32, #tpu.memory_space<vmem>>, vector<1x1024xi32>
    %get3A_2 = vector.shape_cast %get3A_1 : vector<1x1024xi32> to vector<1024xi32>
    %get3A_3 = arith.constant 1 : index
    %get3A_4 = arith.constant 0 : index
    %get3A_5 = vector.load %arg1[%get3A_3, %get3A_4] : memref<2x1024xi32, #tpu.memory_space<vmem>>, vector<1x1024xi32>
    %get3A_6 = vector.shape_cast %get3A_5 : vector<1x1024xi32> to vector<1024xi32>
    %sub3A = arith.constant 320 : i32
    %sub3A_7 = vector.broadcast %sub3A : i32 to vector<1024xi32>
    %sub3A_8 = arith.subi %get3A_6, %sub3A_7 : vector<1024xi32>
    %broadcast_in_dim3A = vector.shape_cast %get3A_2 : vector<1024xi32> to vector<1x1024xi32>
    %eq3A = vector.broadcast %broadcast_in_dim3A : vector<1x1024xi32> to vector<320x1024xi32>
    %eq3A_9 = arith.cmpi eq, %iota3A, %eq3A : vector<320x1024xi32>
    %convert_element_type3A = arith.extui %eq3A_9 : vector<320x1024xi1> to vector<320x1024xi32>
    %convert_element_type3A_10 = arith.sitofp %convert_element_type3A : vector<320x1024xi32> to vector<320x1024xf32>
    %swap3A = arith.constant 0 : index
    %swap3A_11 = arith.constant 0 : index
    %swap3A_12 = arith.constant 0 : index
    %swap3A_13 = vector.load %arg2[%swap3A, %swap3A_11, %swap3A_12] : memref<2x320x1024xf32, #tpu.memory_space<vmem>>, vector<1x320x1024xf32>
    %swap3A_14 = vector.shape_cast %swap3A_13 : vector<1x320x1024xf32> to vector<320x1024xf32>
    %swap3A_15 = vector.shape_cast %convert_element_type3A_10 : vector<320x1024xf32> to vector<1x320x1024xf32>
    tpu.vector_store %arg2[%swap3A, %swap3A_11, %swap3A_12], %swap3A_15 {strides = array<i32>} : memref<2x320x1024xf32, #tpu.memory_space<vmem>>, vector<1x320x1024xf32>,
    %broadcast_in_dim3A_16 = vector.shape_cast %sub3A_8 : vector<1024xi32> to vector<1x1024xi32>
    %eq3A_17 = vector.broadcast %broadcast_in_dim3A_16 : vector<1x1024xi32> to vector<320x1024xi32>
    %eq3A_18 = arith.cmpi eq, %iota3A, %eq3A_17 : vector<320x1024xi32>
    %convert_element_type3A_19 = arith.extui %eq3A_18 : vector<320x1024xi1> to vector<320x1024xi32>
    %convert_element_type3A_20 = arith.sitofp %convert_element_type3A_19 : vector<320x1024xi32> to vector<320x1024xf32>
    %swap3A_21 = arith.constant 1 : index
    %swap3A_22 = arith.constant 0 : index
    %swap3A_23 = arith.constant 0 : index
    %swap3A_24 = vector.load %arg2[%swap3A_21, %swap3A_22, %swap3A_23] : memref<2x320x1024xf32, #tpu.memory_space<vmem>>, vector<1x320x1024xf32>
    %swap3A_25 = vector.shape_cast %swap3A_24 : vector<1x320x1024xf32> to vector<320x1024xf32>
    %swap3A_26 = vector.shape_cast %convert_element_type3A_20 : vector<320x1024xf32> to vector<1x320x1024xf32>
    tpu.vector_store %arg2[%swap3A_21, %swap3A_22, %swap3A_23], %swap3A_26 {strides = array<i32>} : memref<2x320x1024xf32, #tpu.memory_space<vmem>>, vector<1x320x1024xf32>,
    return
  }
  func.func @transform_0(%arg0: i32) -> (i32, i32) {
    %c0_i32 = arith.constant 0 : i32
    %c0_i32_0 = arith.constant 0 : i32
    return %c0_i32, %arg0 : i32, i32
  }
  func.func @transform_1(%arg0: i32) -> (i32, i32, i32) {
    %c0_i32 = arith.constant 0 : i32
    %c0_i32_0 = arith.constant 0 : i32
    %c0_i32_1 = arith.constant 0 : i32
    return %c0_i32, %c0_i32_0, %arg0 : i32, i32, i32
  }
}

</mosaic_0001>

<sc_bundles>
// kernel: kernel.5.cloned.1.call-start
scs
__scs_entry_jumppad:
0x0: {  	(pc) =	sbr.rel $0x88, $3  }
0x1: {  	(tag) =	ssettag $0x0;
	lr =	simm.s32 $0x1  }
0x2: {  	[smem:$0x3F9D] =	sst lr;
	_ =	strace $0xD0000000  }
0x3: {  	_ = 	snop  }
0x4: {  	_ = 	snop  }
0x5: {  	_ = 	snop  }
0x6: {  	_ = 	snop  }
0x7: {  	_ = 	snop  }
__scs_overlays_trampoline_lowered:
0x8: {  	[smem:$0x3FAC] =	sst s0  }
0x9: {  	[smem:$0x3FAD] =	sst s1  }
0xa: {  	[smem:$0x3FAE] =	sst s2  }
0xb: {  	[smem:$0x3FAF] =	sst s3  }
0xc: {  	[smem:$0x3FB0] =	sst s4  }
0xd: {  	[smem:$0x3FB1] =	sst s5  }
0xe: {  	[smem:$0x3FB2] =	sst s6  }
0xf: {  	[smem:$0x3FB3] =	sst s7  }
0x10: {  	[smem:$0x3FB4] =	sst s8  }
0x11: {  	[smem:$0x3FB5] =	sst s9;
	s0 =	simm.s32 @!p0 $0x0  }
0x12: {  	s1 =	sld [smem:$0x3F9B];
	s0 =	simm.s32 @p0 $0x1  }
0x13: {  	[smem:$0x3FB6] =	sst s0;
	s0 =	simm.s32 @!p1 $0x0  }
0x14: {  	s2 =	sld [smem:$0x3F9A];
	s0 =	simm.s32 @p1 $0x1  }
0x15: {  	[smem:$0x3FB7] =	sst s0;
	s0 =	simm.s32 @!p2 $0x0  }
0x16: {  	s3 =	sld [smem:$0x3FDB];
	s0 =	simm.s32 @p2 $0x1  }
0x17: {  	s4 =	simm.s32 $0x1BF5;
	[smem:$0x3FB9] =	sst s0  }
0x18: {  	s0 =	sld [smem:$0x3F9C];
	_ =	swait.ge [sflag:s4], $0x0  }
0x19: {  	s7 =	sld [smem:$0x3F9D]  }
0x1a: {  	s8 =	sadd.s32 $0xFFFFE003, lr  }
0x1b: {  	s9 =	sadd.s32 $0xFFFFFEF7, lr;
	s5 =	simm.s32 $0xFFFFFFFF;
	p2 =	slt.u32 s8, $0xFFFFF086  }
0x1c: {  	p1 =	slt.u32 s9, $0xF7A;
	s5 =	simm.s32 @!p2 $0x0  }
0x1d: {  	s5 =	simm.s32 @p1 $0x1;
	p0 =	seq.s32 s7, s2  }
0x1e: {  	s7 =	smul.u32 @!p0 $0xF7A, s2;
	p2 =	seq.s32 @!p0 s5, $0x0  }
0x1f: {  	s9 =	smul.u32 $0xF7A, s1;
	s8 =	simm.s32 @!p0 $0x1BF5;
	p2 =	por !p2, p0  }
0x20: {  	[sflag:s8] =	ssyncset.s32 @!p0 $0xFFFFF086;
	s6 =	sadd.s32 @!p0 s3, s7;
	s7 =	simm.s32 @!p0 $0x108  }
0x21: {  	s3 =	sadd.s32 s3, s9;
	s6 =	sadd.s32 @!p0 $0x88, s6;
	s7 =	simm.s32 @p2 $0x1082  }
0x22: {  	[simem:s7], [sflag:s8] =	dma.local @!p0 [hbm:s6], $0xF7A  }
0x23: {  	s9 =	sor.u32 $0xD0000000, s2;
	s6 =	simm.s32 $0x108;
	_ =	swait.ge @!p0 [sflag:s8], $0x0  }
0x24: {  	s3 =	sadd.s32 $0x88, s3;
	s6 =	simm.s32 @!p1 $0x1082;
	[sflag:s4] =	ssyncset.s32 $0xFFFFF086  }
0x25: {  	[simem:s6], [sflag:s4] =	dma.local [hbm:s3], $0xF7A  }
0x26: {  	[smem:$0x3F9D] =	sst s1;
	(tag) =	ssettag s2;
	_ =	strace s9  }
0x27: {  	s1 =	sld [smem:$0x3FAD]  }
0x28: {  	s2 =	sld [smem:$0x3FAE]  }
0x29: {  	s4 =	sld [smem:$0x3FB0]  }
0x2a: {  	p0 =	seq.s32 s5, $0x0;
	s5 =	sld [smem:$0x3FB1]  }
0x2b: {  	s6 =	sld [smem:$0x3FB2]  }
0x2c: {  	s7 =	sld [smem:$0x3FB3]  }
0x2d: {  	s3 =	simm.s32 $0x108;
	s8 =	sld [smem:$0x3FB4]  }
0x2e: {  	s3 =	simm.s32 @!p0 $0x1082;
	s9 =	sld [smem:$0x3FB5]  }
0x2f: {  	lr =	sadd.s32 s0, s3;
	s0 =	sld [smem:$0x3FAC]  }
0x30: {  	s3 =	sld [smem:$0x3FAF]  }
0x31: {  	[smem:$0x3FB8] =	sst s10  }
0x32: {  	s10 =	sld [smem:$0x3FB6];
	_ =	sdelay $0x3  }
0x33: {  	p0 =	seq.s32 s10, $0x1;
	s10 =	sld [smem:$0x3FB8];
	_ =	sdelay $0x3  }
0x34: {  	[smem:$0x3FB8] =	sst s10  }
0x35: {  	s10 =	sld [smem:$0x3FB7];
	_ =	sdelay $0x3  }
0x36: {  	p1 =	seq.s32 s10, $0x1;
	s10 =	sld [smem:$0x3FB8];
	_ =	sdelay $0x3  }
0x37: {  	[smem:$0x3FB8] =	sst s10  }
0x38: {  	s10 =	sld [smem:$0x3FB9]  }
0x39: {  	_ = 	snop;
	(pc) =	sbr.ind lr, $3  }
0x3a: {  	_ = 	snop  }
0x3b: {  	_ = 	snop  }
0x3c: {  	p2 =	seq.s32 s10, $0x1;
	s10 =	sld [smem:$0x3FB8]  }
0x3d: {  	_ =	shalt  }
0x3e: {  	_ =	shalt  }
0x3f: {  	_ =	shalt  }
0x40: {  	_ =	shalt  }
0x41: {  	_ =	shalt  }
0x42: {  	_ =	shalt  }
0x43: {  	_ =	shalt  }
0x44: {  	_ =	shalt  }
0x45: {  	_ =	shalt  }
0x46: {  	_ =	shalt  }
0x47: {  	_ =	shalt  }
0x48: {  	_ =	shalt  }
0x49: {  	_ =	shalt  }
0x4a: {  	_ =	shalt  }
0x4b: {  	_ =	shalt  }
0x4c: {  	_ =	shalt  }
0x4d: {  	_ =	shalt  }
0x4e: {  	_ =	shalt  }
0x4f: {  	_ =	shalt  }
0x50: {  	_ =	shalt  }
0x51: {  	_ =	shalt  }
0x52: {  	_ =	shalt  }
0x53: {  	_ =	shalt  }
0x54: {  	_ =	shalt  }
0x55: {  	_ =	shalt  }
0x56: {  	_ =	shalt  }
0x57: {  	_ =	shalt  }
0x58: {  	_ =	shalt  }
0x59: {  	_ =	shalt  }
0x5a: {  	_ =	shalt  }
0x5b: {  	_ =	shalt  }
0x5c: {  	_ =	shalt  }
0x5d: {  	_ =	shalt  }
0x5e: {  	_ =	shalt  }
0x5f: {  	_ =	shalt  }
0x60: {  	_ =	shalt  }
0x61: {  	_ =	shalt  }
0x62: {  	_ =	shalt  }
0x63: {  	_ =	shalt  }
0x64: {  	_ =	shalt  }
0x65: {  	_ =	shalt  }
0x66: {  	_ =	shalt  }
0x67: {  	_ =	shalt  }
0x68: {  	_ =	shalt  }
0x69: {  	_ =	shalt  }
0x6a: {  	_ =	shalt  }
0x6b: {  	_ =	shalt  }
0x6c: {  	_ =	shalt  }
0x6d: {  	_ =	shalt  }
0x6e: {  	_ =	shalt  }
0x6f: {  	_ =	shalt  }
0x70: {  	_ =	shalt  }
0x71: {  	_ =	shalt  }
0x72: {  	_ =	shalt  }
0x73: {  	_ =	shalt  }
0x74: {  	_ =	shalt  }
0x75: {  	_ =	shalt  }
0x76: {  	_ =	shalt  }
0x77: {  	_ =	shalt  }
0x78: {  	_ =	shalt  }
0x79: {  	_ =	shalt  }
0x7a: {  	_ =	shalt  }
0x7b: {  	_ =	shalt  }
0x7c: {  	_ =	shalt  }
0x7d: {  	_ =	shalt  }
0x7e: {  	_ =	shalt  }
0x7f: {  	_ =	shalt  }
0x80: {  	_ =	shalt  }
0x81: {  	_ =	shalt  }
0x82: {  	_ =	shalt  }
0x83: {  	_ =	shalt  }
0x84: {  	_ =	shalt  }
0x85: {  	_ =	shalt  }
0x86: {  	_ =	shalt  }
0x87: {  	_ =	shalt  }
.Lfunc_end0:
.L_simem_size_0:
called_computation_lowered:
.L_overlay_start_0:
0x88: {  	s2 =	sld [smem:$0x3FD9]  }
0x89: {  	s3 =	sld [smem:$0x3FFE];
	_ =	sdelay $0x1  }
0x8a: {  	s1 =	srdreg.scid  }
0x8b: {  	s0 =	sand.u32 $0x1, s1  }
0x8c: {  	s14 =	sshll.u32 s0, $0xA;
	s2 =	sadd.s32 s3, s2  }
0x8d: {  	s2 =	sadd.s32 s2, s14  }
0x8e: {  	[smem:$0x3FC4] =	sst s2  }
0x8f: {  	_ = 	snop  }
0x90: {  	s2 =	sld [smem:$0x3FD0];
	_ =	sdelay $0x2  }
0x91: {  	s4 =	simm.s32 $0xA;
	s5 =	simm.s32 $0x10;
	s15 =	sld [smem:$0x3FC8]  }
0x92: {  	[smem:s5], [sflag:s4] =	dma.local [hbm:s2], $0x1  }
0x93: {  	_ =	swait.eq [sflag:s4], $0x1  }
0x94: {  	[sflag:s4] =	ssyncset.done $0x0  }
0x95: {  	[sflag:s4] =	ssyncadd.s32 $0xFFFFFFFF  }
0x96: {  	s16 =	sld [smem:$0x10];
	(tm) =	ssettm $0x1  }
0x97: {  	s17 =	sld [smem:$0x3FFB];
	_ =	sdelay $0x3  }
0x98: {  	_ =	strace s17  }
0x99: {  	s4 =	sld [smem:$0x3FFC];
	_ =	sdelay $0x3  }
0x9a: {  	_ =	strace s4  }
0x9b: {  	s4 =	sld [smem:$0x3FFD];
	_ =	sdelay $0x3  }
0x9c: {  	_ =	strace s4  }
0x9d: {  	_ =	strace $0x8FFFFFFF  }
0x9e: {  	s18 =	sld [smem:$0x3FDB];
	_ =	sdelay $0x1  }
0x9f: {  	s19 =	simm.s32 $_scs_section_size  }
0xa0: {  	s6 =	simm.s32 $_size__tile_overlayer_lowered;
	s7 =	simm.s32 $_tile_overlayer_lowered  }
0xa1: {  	s22 =	simm.s32 $0x1BFF;
	s21 =	sshll.u32 s7, $0x1;
	s4 =	sadd.s32 s19, s18  }
0xa2: {  	s8 =	simm.s32 $0x0;
	s20 =	sshll.u32 s6, $0x1;
	s6 =	sadd.s32 s21, s4  }
0xa3: {  	[timem:s8], [sflag:s22] =	dma.local [hbm:s6], s20  }
0xa4: {  	_ =	swait.ge [sflag:s22], s20  }
0xa5: {  	s5 =	ssub.s32 $0x0, s20;
	[sflag:s22] =	ssyncset.done $0x0  }
0xa6: {  	[sflag:s22] =	ssyncadd.s32 s5;
	_ =	sdelay $0x1  }
0xa7: {  	s23 =	simm.s32 $0x1B8B  }
0xa8: {  	_ =	swait.ge [sflag:s23], $0x1  }
0xa9: {  	[sflag:s23] =	ssyncset.done $0x0  }
0xaa: {  	s25 =	simm.s32 $0x1B8E;
	s24 =	sld [smem:$0x3FFE];
	[sflag:s23] =	ssyncadd.s32 $0xFFFFFFFF  }
0xab: {  	s26 =	simm.s32 $execute0_lowered;
	[smem:$0x3FD2] =	sst s25  }
0xac: {  	s6 =	sshll.u32 s26, $0x1;
	_ =	strace $0x80000046;
	[dreg:$0x1] =	wrdreg $0xFFFFFFFF  }
0xad: {  	s28 =	simm.s32 $_size_execute0_lowered;
	s4 =	sadd.s32 s4, s6;
	[dreg:$0x0] =	wrdreg $0x0  }
0xae: {  	s6 =	sshll.u32 s28, $0x1;
	[dreg:$0x2] =	wrdreg s4  }
0xaf: {  	[dreg:$0x3] =	wrdreg s6  }
0xb0: {  	[dreg:$0x4] =	wrdreg $0xC0  }
0xb1: {  	_ =	task [dreg:s8], $0x5FFFF  }
0xb2: {  	[dreg:$0x1] =	wrdreg $0xFFFFFFFF  }
0xb3: {  	[dreg:$0x0] =	wrdreg $0x60  }
0xb4: {  	[dreg:$0x2] =	wrdreg s15  }
0xb5: {  	[dreg:$0x3] =	wrdreg s24  }
0xb6: {  	[dreg:$0x4] =	wrdreg s16  }
0xb7: {  	[dreg:$0x5] =	wrdreg $0x9  }
0xb8: {  	_ =	task.clear_ibuf [dreg:s8], $0x6FFFF;
	_ =	strace $0x90000046  }
0xb9: {  	s29 =	simm.s32 $0x9;
	_ =	strace $0x80000048  }
0xba: {  	_ =	swait.ge [sflag:s29], $0x1  }
0xbb: {  	[sflag:s29] =	ssyncadd.s32 $0xFFFFFFFF  }
0xbc: {  	_ =	strace $0x90000048  }
0xbd: {  	_ =	sfence  }
0xbe: {  	s30 =	sld [smem:$0x0];
	_ =	sdelay $0x2  }
0xbf: {  	s31 =	sshll.u32 s1, $0xD;
	s1 =	sshrl.u32 s1, $0x2  }
0xc0: {  	s3 =	sand.u32 $0x4000, s31;
	s1 =	sadd.s32 s1, s30  }
0xc1: {  	s0 =	sor.u32 s3, s0;
	s1 =	sshll.u32 s1, $0x11  }
0xc2: {  	s0 =	sor.u32 s1, s0  }
0xc3: {  	s0 =	sadd.s32 $0x8F2B, s0  }
0xc4: {  	[sflag:s0] =	ssyncadd.remote.s32 $0x1  }
0xc5: {  	_ =	sfence.sel $0xFFFF  }
0xc6: {  	[dreg:$0x0] =	wrdreg $0xFFFFFFFF;
	(pc) =	sbr.abs _section_cstart, $3  }
0xc7: {  	[dreg:$0x1] =	wrdreg $0xFFFFFFFF  }
0xc8: {  	_ =	task.clear_ibuf [dreg:s8], $0x2FFFF;
	_ =	strace $0x9FFFFFFF  }
0xc9: {  	(tm) =	ssettm $0x7FFFFFFF  }
tec
execute0_lowered:
.L_overlay_start_1:
0x0: {  	(tag) =	ssettag $0x1  }
0x1: {  	s2 =	srdreg.scid  }
0x2: {  	s1 =	rddreg [dreg:$0x0];
	s0 =	stileid.u32;
	s15 =	sand.u32 $0x1, s2  }
0x3: {  	s4 =	rddreg [dreg:$0x1];
	s31 =	sshll.u32 s0, $0x8;
	s3 =	sshll.u32 s15, $0x7  }
0x4: {  	s11 =	rddreg [dreg:$0x2];
	s12 =	sor.u32 s3, s31  }
0x5: {  	s2 =	rddreg [dreg:$0x3];
	s3 =	simm.s32 $0x0;
	s5 =	sshrl.u32 s12, $0x2  }
0x6: {  	[smem:$0x7FF] =	sst s3;
	s6 =	sadd.s32 s5, s4  }
0x7: {  	_ =	strace $0x80000047;
	s5 =	simm.s32 $0x5;
	s4 =	sadd.s32 $0x600, s6  }
0x8: {  	[tilespmem:s3], [sflag:$0x5] =	stream.linear.gather [hbm4b:s4+s3], $0x80, $0x38;
	[tilespmem:$0x8100] =	vst v63  }
0x9: {  	_ =	swait.ge [sflag:s5], $0x80  }
0xa: {  	[sflag:s5] =	ssyncset.done $0x0  }
0xb: {  	s7 =	simm.s32 $0x80;
	s6 =	sadd.s32 $0x610, s6;
	[sflag:s5] =	ssyncadd.s32 $0xFFFFFF80  }
0xc: {  	[tilespmem:s7], [sflag:$0x5] =	stream.linear.gather [hbm4b:s6+s3], $0x80, $0x38;
	[tilespmem:$0x8100] =	vst v63  }
0xd: {  	_ =	swait.ge [sflag:s5], $0x80  }
0xe: {  	[sflag:s5] =	ssyncset.done $0x0  }
0xf: {  	s8 =	simm.s32 $0x100;
	[sflag:s5] =	ssyncadd.s32 $0xFFFFFF80  }
0x10: {  	[tilespmem:s8], [sflag:$0x1] =	stream.indirect.gather [hbm4b:s1+s7], $0x80, s3, s7, $0xb8;
	[tilespmem:$0x8100] =	vst v63  }
0x11: {  	s9 =	simm.s32 $0x4100;
	s10 =	simm.s32 $0x1;
	s13 =	simm.s32 $0x800  }
0x12: {  	[tilespmem:s9], [sflag:$0x2] =	stream.indirect.gather [hbm4b:s1+s7], $0x80, s7, s7, $0xb8;
	[tilespmem:$0x8100] =	vst v63  }
0x13: {  	s14 =	simm.s32 $0x2;
	s17 =	ssub.s32 $0x2, s15;
	_ =	swait.ge [sflag:s10], $0x4000  }
0x14: {  	s18 =	sshrl.u32 s17, $0x1;
	s12 =	sshll.u32 s12, $0x5;
	[sflag:s10] =	ssyncset.done $0x0  }
0x15: {  	s11 =	sadd.s32 s11, s12;
	s12 =	simm.s32 $0x400;
	[sflag:s10] =	ssyncadd.s32 $0xFFFFC000  }
0x16: {  	[hbm4b:s11+s12] =	stream.strided.scatter [tilespmem:s8], [sflag:$0x3], $0x4000, s13, s12, $0x38;
	[tilespmem:$0x8100] =	vst v63  }
0x17: {  	s17 =	ssub.s32 s17, s18;
	_ =	swait.ge [sflag:s14], $0x4000  }
0x18: {  	s16 =	simm.s32 $0x3;
	s18 =	smax.u32 s17, $0x1;
	[sflag:s14] =	ssyncset.done $0x0  }
0x19: {  	s15 =	sadd.s32 $0x80, s11;
	p0 =	sne.s32 s18, $0x1;
	[sflag:s14] =	ssyncadd.s32 $0xFFFFC000  }
0x1a: {  	[hbm4b:s15+s12] =	stream.strided.scatter [tilespmem:s9], [sflag:$0x4], $0x4000, s13, s12, $0x38;
	[tilespmem:$0x8100] =	vst v63  }
.Ltmp0:
0x1b: {  	_ =	swait.ge [sflag:s16], $0x4000;
	(pc) =	sbr.rel @!p0 .LBB2_2-.Ltmp0, $4  }
0x1c: {  	[sflag:s16] =	ssyncset.done $0x0  }
0x1d: {  	s17 =	simm.s32 $0x4;
	[sflag:s16] =	ssyncadd.s32 $0xFFFFC000  }
0x1e: {  	_ =	swait.ge [sflag:s17], $0x4000  }
0x1f: {  	s18 =	sadd.s32 $0xFFFFFFFF, s18;
	[sflag:s17] =	ssyncset.done $0x0  }
.LBB2_1:
0x20: {  	p0 =	sne.s32 s18, $0x1;
	s18 =	sadd.s32 $0xFFFFFFFF, s18;
	[sflag:s17] =	ssyncadd.s32 $0xFFFFC000  }
0x21: {  	[tilespmem:s3], [sflag:$0x5] =	stream.linear.gather [hbm4b:s4+s3], $0x80, $0x38;
	[tilespmem:$0x8100] =	vst v63  }
0x22: {  	_ =	swait.ge [sflag:s5], $0x80  }
0x23: {  	[sflag:s5] =	ssyncset.done $0x0  }
0x24: {  	[sflag:s5] =	ssyncadd.s32 $0xFFFFFF80  }
0x25: {  	[tilespmem:s7], [sflag:$0x5] =	stream.linear.gather [hbm4b:s6+s3], $0x80, $0x38;
	[tilespmem:$0x8100] =	vst v63  }
0x26: {  	_ =	swait.ge [sflag:s5], $0x80  }
0x27: {  	[sflag:s5] =	ssyncset.done $0x0  }
0x28: {  	[sflag:s5] =	ssyncadd.s32 $0xFFFFFF80  }
0x29: {  	[tilespmem:s8], [sflag:$0x1] =	stream.indirect.gather [hbm4b:s1+s7], $0x80, s3, s7, $0xb8;
	[tilespmem:$0x8100] =	vst v63  }
0x2a: {  	_ = 	snop  }
0x2b: {  	[tilespmem:s9], [sflag:$0x2] =	stream.indirect.gather [hbm4b:s1+s7], $0x80, s7, s7, $0xb8;
	[tilespmem:$0x8100] =	vst v63  }
0x2c: {  	_ =	swait.ge [sflag:s10], $0x4000  }
0x2d: {  	[sflag:s10] =	ssyncset.done $0x0  }
0x2e: {  	[sflag:s10] =	ssyncadd.s32 $0xFFFFC000  }
0x2f: {  	[hbm4b:s11+s12] =	stream.strided.scatter [tilespmem:s8], [sflag:$0x3], $0x4000, s13, s12, $0x38;
	[tilespmem:$0x8100] =	vst v63  }
0x30: {  	_ =	swait.ge [sflag:s14], $0x4000  }
0x31: {  	[sflag:s14] =	ssyncset.done $0x0  }
0x32: {  	[sflag:s14] =	ssyncadd.s32 $0xFFFFC000  }
0x33: {  	[hbm4b:s15+s12] =	stream.strided.scatter [tilespmem:s9], [sflag:$0x4], $0x4000, s13, s12, $0x38;
	[tilespmem:$0x8100] =	vst v63  }
.Ltmp1:
0x34: {  	_ =	swait.ge [sflag:s16], $0x4000;
	(pc) =	sbr.rel @p0 .LBB2_1-.Ltmp1, $4  }
0x35: {  	[sflag:s16] =	ssyncset.done $0x0  }
0x36: {  	[sflag:s16] =	ssyncadd.s32 $0xFFFFC000  }
0x37: {  	_ =	swait.ge [sflag:s17], $0x4000  }
0x38: {  	[sflag:s17] =	ssyncset.done $0x0  }
.LBB2_2:
0x39: {  	[sflag:s17] =	ssyncadd.s32 $0xFFFFC000  }
0x3a: {  	_ =	sfence.sel $0x180000  }
0x3b: {  	[bflag:$0x0] =	sbarrier.arrive $0xFFFF  }
0x3c: {  	p0 =	sne.s32 s0, $0x0;
	_ =	strace $0x90000047  }
0x3d: {  	s0 =	sadd.s32 @!p0 $0x100000, s2;
	[bflag:$0x2] =	sbarrier.arrive $0xFFFF  }
0x3e: {  	[sflag:s0] =	ssyncadd.tile.s32 @!p0 $0x1;
	_ =	shalt  }
.Lfunc_end2:
_tile_overlayer_lowered:
.L_overlay_start_2:
0x3f: {  	(tag) =	ssettag $0x2  }
0x40: {  	s0 =	rddreg [dreg:$0x0];
	s2 =	stileid.u32  }
0x41: {  	s1 =	rddreg [dreg:$0x1];
	p0 =	sne.s32 s2, $0x0  }
0x42: {  	s3 =	rddreg [dreg:$0x2];
	[bflag:$0x3] =	sbarrier.arrive $0xFFFF;
	s2 =	simm.s32 @!p0 $0x1C05  }
0x43: {  	[timem:s3], [sflag:s2] =	dma.local @!p0 [hbm:s0], s1  }
0x44: {  	s0 =	simm.s32 @!p0 $0x5  }
0x45: {  	_ =	swait.ge @!p0 [sflag:s0], s1  }
0x46: {  	s1 =	ssub.s32 @!p0 $0x0, s1;
	[sflag:s0] =	ssyncset.done @!p0 $0x0  }
0x47: {  	[sflag:s0] =	ssyncadd.s32 @!p0 s1  }
0x48: {  	[bflag:$0x3] =	sbarrier.arrive $0xFFFF  }
0x49: {  	_ =	shalt  }

</sc_bundles>
